<compile_context>
chip_gen: v7x
topology: tpu7x:2x2x1
jax: 0.10.2.dev20260603
libtpu: 0.0.44.dev20260713+nightly
codegen_flags: <defaults>
</compile_context>

<pallas_src>
import jax
import jax.numpy as jnp
from jax import lax
from jax.experimental import pallas as pl
from jax.experimental.pallas import tpu as pltpu
from jax.experimental.pallas import tpu_sc as plsc

N = 100000
C = 64
NC, NS, L = 2, 16, 16
NW = NC * NS
TCOL = 128
NCOLS = N // TCOL
TAIL = N - NCOLS * TCOL
MAXI = 25

_mesh = plsc.VectorSubcoreMesh(core_axis_name="c", subcore_axis_name="s")


@jax.jit
def _sc_onehot_t(idx):
    @pl.kernel(
        out_type=jax.ShapeDtypeStruct((C, N), jnp.float32),
        mesh=_mesh,
        scratch_types=[
            pltpu.VMEM((C, TCOL), jnp.float32),
            pltpu.VMEM((C, TCOL), jnp.float32),
            pltpu.VMEM((MAXI * TCOL, ), jnp.int32),
            pltpu.SemaphoreType.DMA,
            pltpu.SemaphoreType.DMA,
            pltpu.SemaphoreType.DMA,
        ],
        compiler_params=pltpu.CompilerParams(
            needs_layout_passes=False,
            use_tc_tiling_on_sc=True,
            disable_bounds_checks=True,
            skip_device_barrier=True,
        ),
    )
    def k(idx_hbm, out_hbm, b0, b1, idx_v, s0, s1, s_idx):
        bufs = (b0, b1)
        sems = (s0, s1)
        wid = lax.axis_index("s") * NC + lax.axis_index("c")
        il = lax.iota(jnp.int32, L)
        ones = jnp.full((L,), 1.0, jnp.float32)
        zeros = jnp.zeros((L,), jnp.float32)

        col0 = jnp.where(wid < 14, wid * 25, wid * 24 + 14)
        n = jnp.where(wid < 14, 25, 24)

        @pl.when(wid < 14)
        def _():
            pltpu.async_copy(
                idx_hbm.at[pl.ds(col0 * TCOL, 25 * TCOL)],
                idx_v.at[pl.ds(0, 25 * TCOL)], s_idx).wait()

        @pl.when((wid >= 14) & (wid < 31))
        def _():
            pltpu.async_copy(
                idx_hbm.at[pl.ds(col0 * TCOL, 24 * TCOL)],
                idx_v.at[pl.ds(0, 24 * TCOL)], s_idx).wait()

        @pl.when(wid == 31)
        def _():
            pltpu.async_copy(
                idx_hbm.at[pl.ds(col0 * TCOL, 23 * TCOL + TAIL)],
                idx_v.at[pl.ds(0, 23 * TCOL + TAIL)], s_idx).wait()

        def zinit(r, carry):
            def zq(q, c2):
                b0[r, pl.ds(q * L, L)] = zeros
                b1[r, pl.ds(q * L, L)] = zeros
                return c2

            return lax.fori_loop(0, TCOL // L, zq, carry)

        lax.fori_loop(0, C, zinit, 0)

        def scatter_col(buf, i, val):
            base = (col0 + i) * TCOL

            def grp(g, carry):
                iv = idx_v[pl.ds(i * TCOL + g * L, L)]
                off = il + g * L
                plsc.store_scatter(buf, [iv, off], val, mask=(off + base) < N)
                return carry

            lax.fori_loop(0, TCOL // L, grp, 0)

        def step(j, carry):
            for half in range(2):
                i = 2 * j + half
                b = bufs[half]
                s = sems[half]

                @pl.when((i >= 2) & (i < n))
                def _():
                    pltpu.make_async_copy(
                        b, out_hbm.at[:, pl.ds((col0 + i - 2) * TCOL, TCOL)],
                        s).wait()
                    scatter_col(b, i - 2, zeros)

                @pl.when(i < n)
                def _():
                    scatter_col(b, i, ones)
                    pltpu.async_copy(
                        b, out_hbm.at[:, pl.ds((col0 + i) * TCOL, TCOL)], s)
            return carry

        lax.fori_loop(0, (MAXI + 1) // 2, step, 0)

        for half in range(2):
            @pl.when(n > half)
            def _():
                last = n - 1 - ((n - 1 - half) % 2)
                pltpu.make_async_copy(
                    bufs[half],
                    out_hbm.at[:, pl.ds((col0 + last) * TCOL, TCOL)],
                    sems[half]).wait()

    return k(idx)


BI = 65536
GRID = (N + BI - 1) // BI


@jax.jit
def _tc_onehot_t(idx):
    def body(idx_ref, o_ref):
        cls = lax.broadcasted_iota(jnp.int32, (C, BI), 0)
        o_ref[...] = (cls == idx_ref[...]).astype(jnp.float32)

    return pl.pallas_call(
        body,
        grid=(GRID,),
        in_specs=[pl.BlockSpec((BI,), lambda b: (b,))],
        out_specs=pl.BlockSpec((C, BI), lambda b: (0, b)),
        out_shape=jax.ShapeDtypeStruct((C, N), jnp.float32),
    )(idx)


def kernel(species_index, pos):
    idx = species_index.astype(jnp.int32)
    o1t = _sc_onehot_t(idx)
    o2t = _tc_onehot_t(idx)
    return (o1t.T.astype(pos.dtype), o2t.T.astype(pos.dtype))

# --- scband reference (transcript-rebuilt; emitter-appended) ---
"""Pipeline reference for scband-one-hot-atom-encoding-10514079941584 (READ-ONLY COPY).

The authoritative reference and input builder live on the scoring server;
editing this copy changes nothing except your own understanding.
"""

import jax, jax.numpy as jnp
import numpy as np

NUM_SPECIES = 64
N_NODES = 100000

def setup_inputs(seed: int = 0) -> dict:
    key = jax.random.key(seed)
    k1, k2 = jax.random.split(key)
    species_index = jax.random.randint(k1, (N_NODES,), 0, NUM_SPECIES, dtype=jnp.int64 if jax.config.jax_enable_x64 else jnp.int32)
    pos = jax.random.normal(k2, (N_NODES, 3), dtype=jnp.float32)
    return {"species_index": species_index, "pos": pos}

def reference(species_index, pos):
    # torch.nn.functional.one_hot(type_numbers, num_classes).to(dtype=pos.dtype)
    one_hot = jax.nn.one_hot(species_index, NUM_SPECIES, dtype=pos.dtype)
    node_attrs = one_hot
    node_features = one_hot  # set_features=True copies the same tensor
    return (node_attrs, node_features)

if __name__ == "__main__":
    import jax
    _d = setup_inputs()
    print(jax.jit(kernel)(*tuple(_d.values())))

</pallas_src>

<mosaic_0001>
#map = affine_map<(d0, d1) -> (0)>
#map1 = affine_map<(d0, d1) -> (0, 0)>
module attributes {stable_mosaic.version = 14 : i64} {
  func.func @k(%arg0: i32, %arg1: i32, %arg2: memref<100000xi32, #tpu.memory_space<hbm>>, %arg3: memref<64x100000xf32, #tpu.memory_space<hbm>>, %arg4: memref<64x128xf32, #tpu.memory_space<vmem>>, %arg5: memref<64x128xf32, #tpu.memory_space<vmem>>, %arg6: memref<3200xi32, #tpu.memory_space<vmem>>, %arg7: memref<!tpu.dma_semaphore, #tpu.memory_space<semaphore_mem>>, %arg8: memref<!tpu.dma_semaphore, #tpu.memory_space<semaphore_mem>>, %arg9: memref<!tpu.dma_semaphore, #tpu.memory_space<semaphore_mem>>) attributes {dimension_semantics = [#tpu.dimension_semantics<core_parallel>, #tpu.dimension_semantics<subcore_parallel>], iteration_bounds = array<i64: 2, 16>, scalar_prefetch = 0 : i64, scratch_operands = 6 : i64, tpu.core_type = #tpu.core_type<sc_vector_subcore>, window_params = [{transform_indices = #map}, {transform_indices = #map1}]} {
    %mul3A = arith.constant 2 : i32
    %mul3A_0 = arith.muli %arg1, %mul3A : i32
    %add3A = arith.addi %mul3A_0, %arg0 : i32
    %iota3A = tpu.iota {dimensions = array<i32: 0>} : vector<16xi32>
    %broadcast_in_dim3A = arith.constant 1.000000e+00 : f32
    %broadcast_in_dim3A_1 = vector.broadcast %broadcast_in_dim3A : f32 to vector<16xf32>
    %broadcast_in_dim3A_2 = arith.constant 0.000000e+00 : f32
    %broadcast_in_dim3A_3 = vector.broadcast %broadcast_in_dim3A_2 : f32 to vector<16xf32>
    %lt3A = arith.constant 14 : i32
    %lt3A_4 = arith.cmpi slt, %add3A, %lt3A : i32
    %mul3A_5 = arith.constant 25 : i32
    %mul3A_6 = arith.muli %add3A, %mul3A_5 : i32
    %mul3A_7 = arith.constant 24 : i32
    %mul3A_8 = arith.muli %add3A, %mul3A_7 : i32
    %add3A_9 = arith.constant 14 : i32
    %add3A_10 = arith.addi %mul3A_8, %add3A_9 : i32
    %select_n3A = arith.select %lt3A_4, %mul3A_6, %add3A_10 : i32
    %lt3A_11 = arith.constant 14 : i32
    %lt3A_12 = arith.cmpi slt, %add3A, %lt3A_11 : i32
    %jit3A = arith.constant 25 : i32
    %jit3A_13 = arith.constant 24 : i32
    %select_n3A_14 = arith.select %lt3A_12, %jit3A, %jit3A_13 : i32
    %lt3A_15 = arith.constant 14 : i32
    %lt3A_16 = arith.cmpi slt, %add3A, %lt3A_15 : i32
    %convert_element_type3A = arith.extui %lt3A_16 : i1 to i32
    %cond3A = arith.constant 0 : i32
    %cond3A_17 = arith.cmpi ne, %convert_element_type3A, %cond3A : i32
    scf.if %cond3A_17 {
      %mul3A_48 = arith.constant 128 : i32
      %mul3A_49 = arith.muli %select_n3A, %mul3A_48 : i32
      %dma_start3A = arith.constant 0 : i32
      %dma_start3A_50 = tpu.memref_slice %arg6[%dma_start3A] : memref<3200xi32, #tpu.memory_space<vmem>> -> memref<3200xi32, #tpu.memory_space<vmem>>
      %dma_start3A_51 = tpu.memref_slice %arg2[%mul3A_49] : memref<100000xi32, #tpu.memory_space<hbm>> -> memref<3200xi32, #tpu.memory_space<hbm>>
      %dma_start3A_52 = arith.constant 0 : i32
      %dma_start3A_53 = tpu.memref_slice %arg6[%dma_start3A_52] : memref<3200xi32, #tpu.memory_space<vmem>> -> memref<3200xi32, #tpu.memory_space<vmem>>
      %dma_start3A_54 = tpu.memref_slice %arg2[%mul3A_49] : memref<100000xi32, #tpu.memory_space<hbm>> -> memref<3200xi32, #tpu.memory_space<hbm>>
      tpu.enqueue_dma source(%dma_start3A_54 : memref<3200xi32, #tpu.memory_space<hbm>>) target(%dma_start3A_53 : memref<3200xi32, #tpu.memory_space<vmem>>) target_semaphore(%arg9 : memref<!tpu.dma_semaphore, #tpu.memory_space<semaphore_mem>>)
      %dma_wait3A = arith.constant 0 : i32
      %dma_wait3A_55 = tpu.memref_slice %arg6[%dma_wait3A] : memref<3200xi32, #tpu.memory_space<vmem>> -> memref<3200xi32, #tpu.memory_space<vmem>>
      %dma_wait3A_56 = tpu.memref_slice %arg2[%mul3A_49] : memref<100000xi32, #tpu.memory_space<hbm>> -> memref<3200xi32, #tpu.memory_space<hbm>>
      %dma_wait3A_57 = arith.constant 0 : i32
      %dma_wait3A_58 = tpu.memref_slice %arg6[%dma_wait3A_57] : memref<3200xi32, #tpu.memory_space<vmem>> -> memref<3200xi32, #tpu.memory_space<vmem>>
      %dma_wait3A_59 = tpu.memref_slice %arg2[%mul3A_49] : memref<100000xi32, #tpu.memory_space<hbm>> -> memref<3200xi32, #tpu.memory_space<hbm>>
      tpu.wait_dma2 semaphore(%arg9 : memref<!tpu.dma_semaphore, #tpu.memory_space<semaphore_mem>>) src(%dma_wait3A_59 : memref<3200xi32, #tpu.memory_space<hbm>>) dst(%dma_wait3A_58 : memref<3200xi32, #tpu.memory_space<vmem>>)
    } else {
    }
    %ge3A = arith.constant 14 : i32
    %ge3A_18 = arith.cmpi sge, %add3A, %ge3A : i32
    %lt3A_19 = arith.constant 31 : i32
    %lt3A_20 = arith.cmpi slt, %add3A, %lt3A_19 : i32
    %and3A = arith.andi %ge3A_18, %lt3A_20 : i1
    %convert_element_type3A_21 = arith.extui %and3A : i1 to i32
    %cond3A_22 = arith.constant 0 : i32
    %cond3A_23 = arith.cmpi ne, %convert_element_type3A_21, %cond3A_22 : i32
    scf.if %cond3A_23 {
      %mul3A_48 = arith.constant 128 : i32
      %mul3A_49 = arith.muli %select_n3A, %mul3A_48 : i32
      %dma_start3A = arith.constant 0 : i32
      %dma_start3A_50 = tpu.memref_slice %arg6[%dma_start3A] : memref<3200xi32, #tpu.memory_space<vmem>> -> memref<3072xi32, #tpu.memory_space<vmem>>
      %dma_start3A_51 = tpu.memref_slice %arg2[%mul3A_49] : memref<100000xi32, #tpu.memory_space<hbm>> -> memref<3072xi32, #tpu.memory_space<hbm>>
      %dma_start3A_52 = arith.constant 0 : i32
      %dma_start3A_53 = tpu.memref_slice %arg6[%dma_start3A_52] : memref<3200xi32, #tpu.memory_space<vmem>> -> memref<3072xi32, #tpu.memory_space<vmem>>
      %dma_start3A_54 = tpu.memref_slice %arg2[%mul3A_49] : memref<100000xi32, #tpu.memory_space<hbm>> -> memref<3072xi32, #tpu.memory_space<hbm>>
      tpu.enqueue_dma source(%dma_start3A_54 : memref<3072xi32, #tpu.memory_space<hbm>>) target(%dma_start3A_53 : memref<3072xi32, #tpu.memory_space<vmem>>) target_semaphore(%arg9 : memref<!tpu.dma_semaphore, #tpu.memory_space<semaphore_mem>>)
      %dma_wait3A = arith.constant 0 : i32
      %dma_wait3A_55 = tpu.memref_slice %arg6[%dma_wait3A] : memref<3200xi32, #tpu.memory_space<vmem>> -> memref<3072xi32, #tpu.memory_space<vmem>>
      %dma_wait3A_56 = tpu.memref_slice %arg2[%mul3A_49] : memref<100000xi32, #tpu.memory_space<hbm>> -> memref<3072xi32, #tpu.memory_space<hbm>>
      %dma_wait3A_57 = arith.constant 0 : i32
      %dma_wait3A_58 = tpu.memref_slice %arg6[%dma_wait3A_57] : memref<3200xi32, #tpu.memory_space<vmem>> -> memref<3072xi32, #tpu.memory_space<vmem>>
      %dma_wait3A_59 = tpu.memref_slice %arg2[%mul3A_49] : memref<100000xi32, #tpu.memory_space<hbm>> -> memref<3072xi32, #tpu.memory_space<hbm>>
      tpu.wait_dma2 semaphore(%arg9 : memref<!tpu.dma_semaphore, #tpu.memory_space<semaphore_mem>>) src(%dma_wait3A_59 : memref<3072xi32, #tpu.memory_space<hbm>>) dst(%dma_wait3A_58 : memref<3072xi32, #tpu.memory_space<vmem>>)
    } else {
    }
    %eq3A = arith.constant 31 : i32
    %eq3A_24 = arith.cmpi eq, %add3A, %eq3A : i32
    %convert_element_type3A_25 = arith.extui %eq3A_24 : i1 to i32
    %cond3A_26 = arith.constant 0 : i32
    %cond3A_27 = arith.cmpi ne, %convert_element_type3A_25, %cond3A_26 : i32
    scf.if %cond3A_27 {
      %mul3A_48 = arith.constant 128 : i32
      %mul3A_49 = arith.muli %select_n3A, %mul3A_48 : i32
      %dma_start3A = arith.constant 0 : i32
      %dma_start3A_50 = tpu.memref_slice %arg6[%dma_start3A] : memref<3200xi32, #tpu.memory_space<vmem>> -> memref<2976xi32, #tpu.memory_space<vmem>>
      %dma_start3A_51 = tpu.memref_slice %arg2[%mul3A_49] : memref<100000xi32, #tpu.memory_space<hbm>> -> memref<2976xi32, #tpu.memory_space<hbm>>
      %dma_start3A_52 = arith.constant 0 : i32
      %dma_start3A_53 = tpu.memref_slice %arg6[%dma_start3A_52] : memref<3200xi32, #tpu.memory_space<vmem>> -> memref<2976xi32, #tpu.memory_space<vmem>>
      %dma_start3A_54 = tpu.memref_slice %arg2[%mul3A_49] : memref<100000xi32, #tpu.memory_space<hbm>> -> memref<2976xi32, #tpu.memory_space<hbm>>
      tpu.enqueue_dma source(%dma_start3A_54 : memref<2976xi32, #tpu.memory_space<hbm>>) target(%dma_start3A_53 : memref<2976xi32, #tpu.memory_space<vmem>>) target_semaphore(%arg9 : memref<!tpu.dma_semaphore, #tpu.memory_space<semaphore_mem>>)
      %dma_wait3A = arith.constant 0 : i32
      %dma_wait3A_55 = tpu.memref_slice %arg6[%dma_wait3A] : memref<3200xi32, #tpu.memory_space<vmem>> -> memref<2976xi32, #tpu.memory_space<vmem>>
      %dma_wait3A_56 = tpu.memref_slice %arg2[%mul3A_49] : memref<100000xi32, #tpu.memory_space<hbm>> -> memref<2976xi32, #tpu.memory_space<hbm>>
      %dma_wait3A_57 = arith.constant 0 : i32
      %dma_wait3A_58 = tpu.memref_slice %arg6[%dma_wait3A_57] : memref<3200xi32, #tpu.memory_space<vmem>> -> memref<2976xi32, #tpu.memory_space<vmem>>
      %dma_wait3A_59 = tpu.memref_slice %arg2[%mul3A_49] : memref<100000xi32, #tpu.memory_space<hbm>> -> memref<2976xi32, #tpu.memory_space<hbm>>
      tpu.wait_dma2 semaphore(%arg9 : memref<!tpu.dma_semaphore, #tpu.memory_space<semaphore_mem>>) src(%dma_wait3A_59 : memref<2976xi32, #tpu.memory_space<hbm>>) dst(%dma_wait3A_58 : memref<2976xi32, #tpu.memory_space<vmem>>)
    } else {
    }
    %scan3A = arith.constant 0 : i32
    %scan3A_28 = arith.constant 0 : i32
    %scan3A_29 = arith.constant 64 : i32
    %scan3A_30 = arith.addi %scan3A_28, %scan3A_29 : i32
    %scan3A_31 = arith.constant 1 : i32
    scf.for %scan3A_48 = %scan3A_28 to %scan3A_30 step %scan3A_31  : i32 {
      %scan3A_49 = arith.constant 0 : i32
      %scan3A_50 = arith.constant 8 : i32
      %scan3A_51 = arith.addi %scan3A_49, %scan3A_50 : i32
      %scan3A_52 = arith.constant 1 : i32
      scf.for %scan3A_54 = %scan3A_49 to %scan3A_51 step %scan3A_52  : i32 {
        %mul3A_55 = arith.constant 16 : i32
        %mul3A_56 = arith.muli %scan3A_54, %mul3A_55 : i32
        %swap3A = arith.index_cast %scan3A_48 : i32 to index
        %swap3A_57 = arith.index_cast %mul3A_56 : i32 to index
        %swap3A_58 = tpu.vector_load %arg4[%swap3A, %swap3A_57] {strides = array<i32>} : memref<64x128xf32, #tpu.memory_space<vmem>>, vector<16xf32>,
        tpu.vector_store %arg4[%swap3A, %swap3A_57], %broadcast_in_dim3A_3 {strides = array<i32>} : memref<64x128xf32, #tpu.memory_space<vmem>>, vector<16xf32>,
        %mul3A_59 = arith.constant 16 : i32
        %mul3A_60 = arith.muli %scan3A_54, %mul3A_59 : i32
        %swap3A_61 = arith.index_cast %scan3A_48 : i32 to index
        %swap3A_62 = arith.index_cast %mul3A_60 : i32 to index
        %swap3A_63 = tpu.vector_load %arg5[%swap3A_61, %swap3A_62] {strides = array<i32>} : memref<64x128xf32, #tpu.memory_space<vmem>>, vector<16xf32>,
        tpu.vector_store %arg5[%swap3A_61, %swap3A_62], %broadcast_in_dim3A_3 {strides = array<i32>} : memref<64x128xf32, #tpu.memory_space<vmem>>, vector<16xf32>,
      }
      %scan3A_53 = arith.constant 8 : i32
    }
    %scan3A_32 = arith.constant 64 : i32
    %scan3A_33 = arith.constant 0 : i32
    %scan3A_34 = arith.constant 0 : i32
    %scan3A_35 = arith.constant 13 : i32
    %scan3A_36 = arith.addi %scan3A_34, %scan3A_35 : i32
    %scan3A_37 = arith.constant 1 : i32
    scf.for %scan3A_48 = %scan3A_34 to %scan3A_36 step %scan3A_37  : i32 {
      %mul3A_49 = arith.constant 2 : i32
      %mul3A_50 = arith.muli %mul3A_49, %scan3A_48 : i32
      %add3A_51 = arith.constant 0 : i32
      %add3A_52 = arith.addi %mul3A_50, %add3A_51 : i32
      %ge3A_53 = arith.constant 2 : i32
      %ge3A_54 = arith.cmpi sge, %add3A_52, %ge3A_53 : i32
      %lt3A_55 = arith.cmpi slt, %add3A_52, %select_n3A_14 : i32
      %and3A_56 = arith.andi %ge3A_54, %lt3A_55 : i1
      %convert_element_type3A_57 = arith.extui %and3A_56 : i1 to i32
      %cond3A_58 = arith.constant 0 : i32
      %cond3A_59 = arith.cmpi ne, %convert_element_type3A_57, %cond3A_58 : i32
      scf.if %cond3A_59 {
        %add3A_79 = arith.addi %select_n3A, %add3A_52 : i32
        %sub3A = arith.constant 2 : i32
        %sub3A_80 = arith.subi %add3A_79, %sub3A : i32
        %mul3A_81 = arith.constant 128 : i32
        %mul3A_82 = arith.muli %sub3A_80, %mul3A_81 : i32
        %dma_wait3A = arith.constant 0 : i32
        %dma_wait3A_83 = tpu.memref_slice %arg3[%dma_wait3A, %mul3A_82] : memref<64x100000xf32, #tpu.memory_space<hbm>> -> memref<64x128xf32, #tpu.memory_space<hbm>>
        %dma_wait3A_84 = arith.constant 0 : i32
        %dma_wait3A_85 = tpu.memref_slice %arg3[%dma_wait3A_84, %mul3A_82] : memref<64x100000xf32, #tpu.memory_space<hbm>> -> memref<64x128xf32, #tpu.memory_space<hbm>>
        tpu.wait_dma2 semaphore(%arg7 : memref<!tpu.dma_semaphore, #tpu.memory_space<semaphore_mem>>) src(%arg4 : memref<64x128xf32, #tpu.memory_space<vmem>>) dst(%dma_wait3A_85 : memref<64x128xf32, #tpu.memory_space<hbm>>)
        %sub3A_86 = arith.constant 2 : i32
        %sub3A_87 = arith.subi %add3A_52, %sub3A_86 : i32
        %add3A_88 = arith.addi %select_n3A, %sub3A_87 : i32
        %mul3A_89 = arith.constant 128 : i32
        %mul3A_90 = arith.muli %add3A_88, %mul3A_89 : i32
        %scan3A_91 = arith.constant 0 : i32
        %scan3A_92 = arith.constant 0 : i32
        %scan3A_93 = arith.constant 8 : i32
        %scan3A_94 = arith.addi %scan3A_92, %scan3A_93 : i32
        %scan3A_95 = arith.constant 1 : i32
        scf.for %scan3A_97 = %scan3A_92 to %scan3A_94 step %scan3A_95  : i32 {
          %mul3A_98 = arith.constant 128 : i32
          %mul3A_99 = arith.muli %sub3A_87, %mul3A_98 : i32
          %mul3A_100 = arith.constant 16 : i32
          %mul3A_101 = arith.muli %scan3A_97, %mul3A_100 : i32
          %add3A_102 = arith.addi %mul3A_99, %mul3A_101 : i32
          %get3A = arith.index_cast %add3A_102 : i32 to index
          %get3A_103 = tpu.vector_load %arg6[%get3A] {strides = array<i32>} : memref<3200xi32, #tpu.memory_space<vmem>>, vector<16xi32>,
          %mul3A_104 = arith.constant 16 : i32
          %mul3A_105 = arith.muli %scan3A_97, %mul3A_104 : i32
          %add3A_106 = vector.broadcast %mul3A_105 : i32 to vector<16xi32>
          %add3A_107 = arith.addi %iota3A, %add3A_106 : vector<16xi32>
          %add3A_108 = vector.broadcast %mul3A_90 : i32 to vector<16xi32>
          %add3A_109 = arith.addi %add3A_107, %add3A_108 : vector<16xi32>
          %lt3A_110 = arith.constant 100000 : i32
          %lt3A_111 = vector.broadcast %lt3A_110 : i32 to vector<16xi32>
          %lt3A_112 = arith.cmpi slt, %add3A_109, %lt3A_111 : vector<16xi32>
          tpu.vector_store_idx %arg4[%get3A_103, %add3A_107], %broadcast_in_dim3A_3 masked %lt3A_112 : memref<64x128xf32, #tpu.memory_space<vmem>>[vector<16xi32>, vector<16xi32>], vector<16xf32>, vector<16xi1>
        }
        %scan3A_96 = arith.constant 8 : i32
      } else {
      }
      %lt3A_60 = arith.cmpi slt, %add3A_52, %select_n3A_14 : i32
      %convert_element_type3A_61 = arith.extui %lt3A_60 : i1 to i32
      %cond3A_62 = arith.constant 0 : i32
      %cond3A_63 = arith.cmpi ne, %convert_element_type3A_61, %cond3A_62 : i32
      scf.if %cond3A_63 {
        %add3A_79 = arith.addi %select_n3A, %add3A_52 : i32
        %mul3A_80 = arith.constant 128 : i32
        %mul3A_81 = arith.muli %add3A_79, %mul3A_80 : i32
        %scan3A_82 = arith.constant 0 : i32
        %scan3A_83 = arith.constant 0 : i32
        %scan3A_84 = arith.constant 8 : i32
        %scan3A_85 = arith.addi %scan3A_83, %scan3A_84 : i32
        %scan3A_86 = arith.constant 1 : i32
        scf.for %scan3A_94 = %scan3A_83 to %scan3A_85 step %scan3A_86  : i32 {
          %mul3A_95 = arith.constant 128 : i32
          %mul3A_96 = arith.muli %add3A_52, %mul3A_95 : i32
          %mul3A_97 = arith.constant 16 : i32
          %mul3A_98 = arith.muli %scan3A_94, %mul3A_97 : i32
          %add3A_99 = arith.addi %mul3A_96, %mul3A_98 : i32
          %get3A = arith.index_cast %add3A_99 : i32 to index
          %get3A_100 = tpu.vector_load %arg6[%get3A] {strides = array<i32>} : memref<3200xi32, #tpu.memory_space<vmem>>, vector<16xi32>,
          %mul3A_101 = arith.constant 16 : i32
          %mul3A_102 = arith.muli %scan3A_94, %mul3A_101 : i32
          %add3A_103 = vector.broadcast %mul3A_102 : i32 to vector<16xi32>
          %add3A_104 = arith.addi %iota3A, %add3A_103 : vector<16xi32>
          %add3A_105 = vector.broadcast %mul3A_81 : i32 to vector<16xi32>
          %add3A_106 = arith.addi %add3A_104, %add3A_105 : vector<16xi32>
          %lt3A_107 = arith.constant 100000 : i32
          %lt3A_108 = vector.broadcast %lt3A_107 : i32 to vector<16xi32>
          %lt3A_109 = arith.cmpi slt, %add3A_106, %lt3A_108 : vector<16xi32>
          tpu.vector_store_idx %arg4[%get3A_100, %add3A_104], %broadcast_in_dim3A_1 masked %lt3A_109 : memref<64x128xf32, #tpu.memory_space<vmem>>[vector<16xi32>, vector<16xi32>], vector<16xf32>, vector<16xi1>
        }
        %scan3A_87 = arith.constant 8 : i32
        %add3A_88 = arith.addi %select_n3A, %add3A_52 : i32
        %mul3A_89 = arith.constant 128 : i32
        %mul3A_90 = arith.muli %add3A_88, %mul3A_89 : i32
        %dma_start3A = arith.constant 0 : i32
        %dma_start3A_91 = tpu.memref_slice %arg3[%dma_start3A, %mul3A_90] : memref<64x100000xf32, #tpu.memory_space<hbm>> -> memref<64x128xf32, #tpu.memory_space<hbm>>
        %dma_start3A_92 = arith.constant 0 : i32
        %dma_start3A_93 = tpu.memref_slice %arg3[%dma_start3A_92, %mul3A_90] : memref<64x100000xf32, #tpu.memory_space<hbm>> -> memref<64x128xf32, #tpu.memory_space<hbm>>
        tpu.enqueue_dma source(%arg4 : memref<64x128xf32, #tpu.memory_space<vmem>>) target(%dma_start3A_93 : memref<64x128xf32, #tpu.memory_space<hbm>>) target_semaphore(%arg7 : memref<!tpu.dma_semaphore, #tpu.memory_space<semaphore_mem>>)
      } else {
      }
      %mul3A_64 = arith.constant 2 : i32
      %mul3A_65 = arith.muli %mul3A_64, %scan3A_48 : i32
      %add3A_66 = arith.constant 1 : i32
      %add3A_67 = arith.addi %mul3A_65, %add3A_66 : i32
      %ge3A_68 = arith.constant 2 : i32
      %ge3A_69 = arith.cmpi sge, %add3A_67, %ge3A_68 : i32
      %lt3A_70 = arith.cmpi slt, %add3A_67, %select_n3A_14 : i32
      %and3A_71 = arith.andi %ge3A_69, %lt3A_70 : i1
      %convert_element_type3A_72 = arith.extui %and3A_71 : i1 to i32
      %cond3A_73 = arith.constant 0 : i32
      %cond3A_74 = arith.cmpi ne, %convert_element_type3A_72, %cond3A_73 : i32
      scf.if %cond3A_74 {
        %add3A_79 = arith.addi %select_n3A, %add3A_67 : i32
        %sub3A = arith.constant 2 : i32
        %sub3A_80 = arith.subi %add3A_79, %sub3A : i32
        %mul3A_81 = arith.constant 128 : i32
        %mul3A_82 = arith.muli %sub3A_80, %mul3A_81 : i32
        %dma_wait3A = arith.constant 0 : i32
        %dma_wait3A_83 = tpu.memref_slice %arg3[%dma_wait3A, %mul3A_82] : memref<64x100000xf32, #tpu.memory_space<hbm>> -> memref<64x128xf32, #tpu.memory_space<hbm>>
        %dma_wait3A_84 = arith.constant 0 : i32
        %dma_wait3A_85 = tpu.memref_slice %arg3[%dma_wait3A_84, %mul3A_82] : memref<64x100000xf32, #tpu.memory_space<hbm>> -> memref<64x128xf32, #tpu.memory_space<hbm>>
        tpu.wait_dma2 semaphore(%arg8 : memref<!tpu.dma_semaphore, #tpu.memory_space<semaphore_mem>>) src(%arg5 : memref<64x128xf32, #tpu.memory_space<vmem>>) dst(%dma_wait3A_85 : memref<64x128xf32, #tpu.memory_space<hbm>>)
        %sub3A_86 = arith.constant 2 : i32
        %sub3A_87 = arith.subi %add3A_67, %sub3A_86 : i32
        %add3A_88 = arith.addi %select_n3A, %sub3A_87 : i32
        %mul3A_89 = arith.constant 128 : i32
        %mul3A_90 = arith.muli %add3A_88, %mul3A_89 : i32
        %scan3A_91 = arith.constant 0 : i32
        %scan3A_92 = arith.constant 0 : i32
        %scan3A_93 = arith.constant 8 : i32
        %scan3A_94 = arith.addi %scan3A_92, %scan3A_93 : i32
        %scan3A_95 = arith.constant 1 : i32
        scf.for %scan3A_97 = %scan3A_92 to %scan3A_94 step %scan3A_95  : i32 {
          %mul3A_98 = arith.constant 128 : i32
          %mul3A_99 = arith.muli %sub3A_87, %mul3A_98 : i32
          %mul3A_100 = arith.constant 16 : i32
          %mul3A_101 = arith.muli %scan3A_97, %mul3A_100 : i32
          %add3A_102 = arith.addi %mul3A_99, %mul3A_101 : i32
          %get3A = arith.index_cast %add3A_102 : i32 to index
          %get3A_103 = tpu.vector_load %arg6[%get3A] {strides = array<i32>} : memref<3200xi32, #tpu.memory_space<vmem>>, vector<16xi32>,
          %mul3A_104 = arith.constant 16 : i32
          %mul3A_105 = arith.muli %scan3A_97, %mul3A_104 : i32
          %add3A_106 = vector.broadcast %mul3A_105 : i32 to vector<16xi32>
          %add3A_107 = arith.addi %iota3A, %add3A_106 : vector<16xi32>
          %add3A_108 = vector.broadcast %mul3A_90 : i32 to vector<16xi32>
          %add3A_109 = arith.addi %add3A_107, %add3A_108 : vector<16xi32>
          %lt3A_110 = arith.constant 100000 : i32
          %lt3A_111 = vector.broadcast %lt3A_110 : i32 to vector<16xi32>
          %lt3A_112 = arith.cmpi slt, %add3A_109, %lt3A_111 : vector<16xi32>
          tpu.vector_store_idx %arg5[%get3A_103, %add3A_107], %broadcast_in_dim3A_3 masked %lt3A_112 : memref<64x128xf32, #tpu.memory_space<vmem>>[vector<16xi32>, vector<16xi32>], vector<16xf32>, vector<16xi1>
        }
        %scan3A_96 = arith.constant 8 : i32
      } else {
      }
      %lt3A_75 = arith.cmpi slt, %add3A_67, %select_n3A_14 : i32
      %convert_element_type3A_76 = arith.extui %lt3A_75 : i1 to i32
      %cond3A_77 = arith.constant 0 : i32
      %cond3A_78 = arith.cmpi ne, %convert_element_type3A_76, %cond3A_77 : i32
      scf.if %cond3A_78 {
        %add3A_79 = arith.addi %select_n3A, %add3A_67 : i32
        %mul3A_80 = arith.constant 128 : i32
        %mul3A_81 = arith.muli %add3A_79, %mul3A_80 : i32
        %scan3A_82 = arith.constant 0 : i32
        %scan3A_83 = arith.constant 0 : i32
        %scan3A_84 = arith.constant 8 : i32
        %scan3A_85 = arith.addi %scan3A_83, %scan3A_84 : i32
        %scan3A_86 = arith.constant 1 : i32
        scf.for %scan3A_94 = %scan3A_83 to %scan3A_85 step %scan3A_86  : i32 {
          %mul3A_95 = arith.constant 128 : i32
          %mul3A_96 = arith.muli %add3A_67, %mul3A_95 : i32
          %mul3A_97 = arith.constant 16 : i32
          %mul3A_98 = arith.muli %scan3A_94, %mul3A_97 : i32
          %add3A_99 = arith.addi %mul3A_96, %mul3A_98 : i32
          %get3A = arith.index_cast %add3A_99 : i32 to index
          %get3A_100 = tpu.vector_load %arg6[%get3A] {strides = array<i32>} : memref<3200xi32, #tpu.memory_space<vmem>>, vector<16xi32>,
          %mul3A_101 = arith.constant 16 : i32
          %mul3A_102 = arith.muli %scan3A_94, %mul3A_101 : i32
          %add3A_103 = vector.broadcast %mul3A_102 : i32 to vector<16xi32>
          %add3A_104 = arith.addi %iota3A, %add3A_103 : vector<16xi32>
          %add3A_105 = vector.broadcast %mul3A_81 : i32 to vector<16xi32>
          %add3A_106 = arith.addi %add3A_104, %add3A_105 : vector<16xi32>
          %lt3A_107 = arith.constant 100000 : i32
          %lt3A_108 = vector.broadcast %lt3A_107 : i32 to vector<16xi32>
          %lt3A_109 = arith.cmpi slt, %add3A_106, %lt3A_108 : vector<16xi32>
          tpu.vector_store_idx %arg5[%get3A_100, %add3A_104], %broadcast_in_dim3A_1 masked %lt3A_109 : memref<64x128xf32, #tpu.memory_space<vmem>>[vector<16xi32>, vector<16xi32>], vector<16xf32>, vector<16xi1>
        }
        %scan3A_87 = arith.constant 8 : i32
        %add3A_88 = arith.addi %select_n3A, %add3A_67 : i32
        %mul3A_89 = arith.constant 128 : i32
        %mul3A_90 = arith.muli %add3A_88, %mul3A_89 : i32
        %dma_start3A = arith.constant 0 : i32
        %dma_start3A_91 = tpu.memref_slice %arg3[%dma_start3A, %mul3A_90] : memref<64x100000xf32, #tpu.memory_space<hbm>> -> memref<64x128xf32, #tpu.memory_space<hbm>>
        %dma_start3A_92 = arith.constant 0 : i32
        %dma_start3A_93 = tpu.memref_slice %arg3[%dma_start3A_92, %mul3A_90] : memref<64x100000xf32, #tpu.memory_space<hbm>> -> memref<64x128xf32, #tpu.memory_space<hbm>>
        tpu.enqueue_dma source(%arg5 : memref<64x128xf32, #tpu.memory_space<vmem>>) target(%dma_start3A_93 : memref<64x128xf32, #tpu.memory_space<hbm>>) target_semaphore(%arg8 : memref<!tpu.dma_semaphore, #tpu.memory_space<semaphore_mem>>)
      } else {
      }
    }
    %scan3A_38 = arith.constant 13 : i32
    %gt3A = arith.constant 0 : i32
    %gt3A_39 = arith.cmpi sgt, %select_n3A_14, %gt3A : i32
    %convert_element_type3A_40 = arith.extui %gt3A_39 : i1 to i32
    %cond3A_41 = arith.constant 0 : i32
    %cond3A_42 = arith.cmpi ne, %convert_element_type3A_40, %cond3A_41 : i32
    scf.if %cond3A_42 {
      %sub3A = arith.constant 1 : i32
      %sub3A_48 = arith.subi %select_n3A_14, %sub3A : i32
      %sub3A_49 = arith.constant 1 : i32
      %sub3A_50 = arith.subi %select_n3A_14, %sub3A_49 : i32
      %sub3A_51 = arith.constant 0 : i32
      %sub3A_52 = arith.subi %sub3A_50, %sub3A_51 : i32
      %jit3A_53 = arith.constant 2 : i32
      %eq3A_54 = arith.constant 0 : i32
      %eq3A_55 = arith.cmpi eq, %jit3A_53, %eq3A_54 : i32
      %jit3A_56 = arith.constant 1 : i32
      %select_n3A_57 = arith.select %eq3A_55, %jit3A_56, %jit3A_53 : i32
      %rem3A = arith.remsi %sub3A_52, %select_n3A_57 : i32
      %ne3A = arith.constant 0 : i32
      %ne3A_58 = arith.cmpi ne, %rem3A, %ne3A : i32
      %lt3A_59 = arith.constant 0 : i32
      %lt3A_60 = arith.cmpi slt, %rem3A, %lt3A_59 : i32
      %lt3A_61 = arith.constant 0 : i32
      %lt3A_62 = arith.cmpi slt, %select_n3A_57, %lt3A_61 : i32
      %ne3A_63 = arith.xori %lt3A_60, %lt3A_62 : i1
      %and3A_64 = arith.andi %ne3A_63, %ne3A_58 : i1
      %add3A_65 = arith.addi %rem3A, %select_n3A_57 : i32
      %select_n3A_66 = arith.select %and3A_64, %add3A_65, %rem3A : i32
      %sub3A_67 = arith.subi %sub3A_48, %select_n3A_66 : i32
      %add3A_68 = arith.addi %select_n3A, %sub3A_67 : i32
      %mul3A_69 = arith.constant 128 : i32
      %mul3A_70 = arith.muli %add3A_68, %mul3A_69 : i32
      %dma_wait3A = arith.constant 0 : i32
      %dma_wait3A_71 = tpu.memref_slice %arg3[%dma_wait3A, %mul3A_70] : memref<64x100000xf32, #tpu.memory_space<hbm>> -> memref<64x128xf32, #tpu.memory_space<hbm>>
      %dma_wait3A_72 = arith.constant 0 : i32
      %dma_wait3A_73 = tpu.memref_slice %arg3[%dma_wait3A_72, %mul3A_70] : memref<64x100000xf32, #tpu.memory_space<hbm>> -> memref<64x128xf32, #tpu.memory_space<hbm>>
      tpu.wait_dma2 semaphore(%arg7 : memref<!tpu.dma_semaphore, #tpu.memory_space<semaphore_mem>>) src(%arg4 : memref<64x128xf32, #tpu.memory_space<vmem>>) dst(%dma_wait3A_73 : memref<64x128xf32, #tpu.memory_space<hbm>>)
    } else {
    }
    %gt3A_43 = arith.constant 1 : i32
    %gt3A_44 = arith.cmpi sgt, %select_n3A_14, %gt3A_43 : i32
    %convert_element_type3A_45 = arith.extui %gt3A_44 : i1 to i32
    %cond3A_46 = arith.constant 0 : i32
    %cond3A_47 = arith.cmpi ne, %convert_element_type3A_45, %cond3A_46 : i32
    scf.if %cond3A_47 {
      %sub3A = arith.constant 1 : i32
      %sub3A_48 = arith.subi %select_n3A_14, %sub3A : i32
      %sub3A_49 = arith.constant 1 : i32
      %sub3A_50 = arith.subi %select_n3A_14, %sub3A_49 : i32
      %sub3A_51 = arith.constant 1 : i32
      %sub3A_52 = arith.subi %sub3A_50, %sub3A_51 : i32
      %jit3A_53 = arith.constant 2 : i32
      %eq3A_54 = arith.constant 0 : i32
      %eq3A_55 = arith.cmpi eq, %jit3A_53, %eq3A_54 : i32
      %jit3A_56 = arith.constant 1 : i32
      %select_n3A_57 = arith.select %eq3A_55, %jit3A_56, %jit3A_53 : i32
      %rem3A = arith.remsi %sub3A_52, %select_n3A_57 : i32
      %ne3A = arith.constant 0 : i32
      %ne3A_58 = arith.cmpi ne, %rem3A, %ne3A : i32
      %lt3A_59 = arith.constant 0 : i32
      %lt3A_60 = arith.cmpi slt, %rem3A, %lt3A_59 : i32
      %lt3A_61 = arith.constant 0 : i32
      %lt3A_62 = arith.cmpi slt, %select_n3A_57, %lt3A_61 : i32
      %ne3A_63 = arith.xori %lt3A_60, %lt3A_62 : i1
      %and3A_64 = arith.andi %ne3A_63, %ne3A_58 : i1
      %add3A_65 = arith.addi %rem3A, %select_n3A_57 : i32
      %select_n3A_66 = arith.select %and3A_64, %add3A_65, %rem3A : i32
      %sub3A_67 = arith.subi %sub3A_48, %select_n3A_66 : i32
      %add3A_68 = arith.addi %select_n3A, %sub3A_67 : i32
      %mul3A_69 = arith.constant 128 : i32
      %mul3A_70 = arith.muli %add3A_68, %mul3A_69 : i32
      %dma_wait3A = arith.constant 0 : i32
      %dma_wait3A_71 = tpu.memref_slice %arg3[%dma_wait3A, %mul3A_70] : memref<64x100000xf32, #tpu.memory_space<hbm>> -> memref<64x128xf32, #tpu.memory_space<hbm>>
      %dma_wait3A_72 = arith.constant 0 : i32
      %dma_wait3A_73 = tpu.memref_slice %arg3[%dma_wait3A_72, %mul3A_70] : memref<64x100000xf32, #tpu.memory_space<hbm>> -> memref<64x128xf32, #tpu.memory_space<hbm>>
      tpu.wait_dma2 semaphore(%arg8 : memref<!tpu.dma_semaphore, #tpu.memory_space<semaphore_mem>>) src(%arg5 : memref<64x128xf32, #tpu.memory_space<vmem>>) dst(%dma_wait3A_73 : memref<64x128xf32, #tpu.memory_space<hbm>>)
    } else {
    }
    return
  }
}

</mosaic_0001>

<sc_bundles>
// kernel: _sc_onehot_t.3.cloned.1.call-start
scs
__scs_entry_jumppad:
0x0: {  	(pc) =	sbr.rel $0x88, $3  }
0x1: {  	(tag) =	ssettag $0x0;
	lr =	simm.s32 $0x1  }
0x2: {  	[smem:$0x3FA0] =	sst lr;
	_ =	strace $0xD0000000  }
0x3: {  	_ = 	snop  }
0x4: {  	_ = 	snop  }
0x5: {  	_ = 	snop  }
0x6: {  	_ = 	snop  }
0x7: {  	_ = 	snop  }
__scs_overlays_trampoline_lowered:
0x8: {  	[smem:$0x3FAF] =	sst s0  }
0x9: {  	[smem:$0x3FB0] =	sst s1  }
0xa: {  	[smem:$0x3FB1] =	sst s2  }
0xb: {  	[smem:$0x3FB2] =	sst s3  }
0xc: {  	[smem:$0x3FB3] =	sst s4  }
0xd: {  	[smem:$0x3FB4] =	sst s5  }
0xe: {  	[smem:$0x3FB5] =	sst s6  }
0xf: {  	[smem:$0x3FB6] =	sst s7  }
0x10: {  	[smem:$0x3FB7] =	sst s8  }
0x11: {  	[smem:$0x3FB8] =	sst s9;
	s0 =	simm.s32 @!p0 $0x0  }
0x12: {  	s1 =	sld [smem:$0x3F9E];
	s0 =	simm.s32 @p0 $0x1  }
0x13: {  	[smem:$0x3FB9] =	sst s0;
	s0 =	simm.s32 @!p1 $0x0  }
0x14: {  	s2 =	sld [smem:$0x3F9D];
	s0 =	simm.s32 @p1 $0x1  }
0x15: {  	[smem:$0x3FBA] =	sst s0;
	s0 =	simm.s32 @!p2 $0x0  }
0x16: {  	s3 =	sld [smem:$0x3FDB];
	s0 =	simm.s32 @p2 $0x1  }
0x17: {  	s4 =	simm.s32 $0x1BF5;
	[smem:$0x3FBC] =	sst s0  }
0x18: {  	s0 =	sld [smem:$0x3F9F];
	_ =	swait.ge [sflag:s4], $0x0  }
0x19: {  	s7 =	sld [smem:$0x3FA0]  }
0x1a: {  	s8 =	sadd.s32 $0xFFFFE003, lr  }
0x1b: {  	s9 =	sadd.s32 $0xFFFFFEF7, lr;
	s5 =	simm.s32 $0xFFFFFFFF;
	p2 =	slt.u32 s8, $0xFFFFF086  }
0x1c: {  	p1 =	slt.u32 s9, $0xF7A;
	s5 =	simm.s32 @!p2 $0x0  }
0x1d: {  	s5 =	simm.s32 @p1 $0x1;
	p0 =	seq.s32 s7, s2  }
0x1e: {  	s7 =	smul.u32 @!p0 $0xF7A, s2;
	p2 =	seq.s32 @!p0 s5, $0x0  }
0x1f: {  	s9 =	smul.u32 $0xF7A, s1;
	s8 =	simm.s32 @!p0 $0x1BF5;
	p2 =	por !p2, p0  }
0x20: {  	[sflag:s8] =	ssyncset.s32 @!p0 $0xFFFFF086;
	s6 =	sadd.s32 @!p0 s3, s7;
	s7 =	simm.s32 @!p0 $0x108  }
0x21: {  	s3 =	sadd.s32 s3, s9;
	s6 =	sadd.s32 @!p0 $0x88, s6;
	s7 =	simm.s32 @p2 $0x1082  }
0x22: {  	[simem:s7], [sflag:s8] =	dma.local @!p0 [hbm:s6], $0xF7A  }
0x23: {  	s9 =	sor.u32 $0xD0000000, s2;
	s6 =	simm.s32 $0x108;
	_ =	swait.ge @!p0 [sflag:s8], $0x0  }
0x24: {  	s3 =	sadd.s32 $0x88, s3;
	s6 =	simm.s32 @!p1 $0x1082;
	[sflag:s4] =	ssyncset.s32 $0xFFFFF086  }
0x25: {  	[simem:s6], [sflag:s4] =	dma.local [hbm:s3], $0xF7A  }
0x26: {  	[smem:$0x3FA0] =	sst s1;
	(tag) =	ssettag s2;
	_ =	strace s9  }
0x27: {  	s1 =	sld [smem:$0x3FB0]  }
0x28: {  	s2 =	sld [smem:$0x3FB1]  }
0x29: {  	s4 =	sld [smem:$0x3FB3]  }
0x2a: {  	p0 =	seq.s32 s5, $0x0;
	s5 =	sld [smem:$0x3FB4]  }
0x2b: {  	s6 =	sld [smem:$0x3FB5]  }
0x2c: {  	s7 =	sld [smem:$0x3FB6]  }
0x2d: {  	s3 =	simm.s32 $0x108;
	s8 =	sld [smem:$0x3FB7]  }
0x2e: {  	s3 =	simm.s32 @!p0 $0x1082;
	s9 =	sld [smem:$0x3FB8]  }
0x2f: {  	lr =	sadd.s32 s0, s3;
	s0 =	sld [smem:$0x3FAF]  }
0x30: {  	s3 =	sld [smem:$0x3FB2]  }
0x31: {  	[smem:$0x3FBB] =	sst s10  }
0x32: {  	s10 =	sld [smem:$0x3FB9];
	_ =	sdelay $0x3  }
0x33: {  	p0 =	seq.s32 s10, $0x1;
	s10 =	sld [smem:$0x3FBB];
	_ =	sdelay $0x3  }
0x34: {  	[smem:$0x3FBB] =	sst s10  }
0x35: {  	s10 =	sld [smem:$0x3FBA];
	_ =	sdelay $0x3  }
0x36: {  	p1 =	seq.s32 s10, $0x1;
	s10 =	sld [smem:$0x3FBB];
	_ =	sdelay $0x3  }
0x37: {  	[smem:$0x3FBB] =	sst s10  }
0x38: {  	s10 =	sld [smem:$0x3FBC]  }
0x39: {  	_ = 	snop;
	(pc) =	sbr.ind lr, $3  }
0x3a: {  	_ = 	snop  }
0x3b: {  	_ = 	snop  }
0x3c: {  	p2 =	seq.s32 s10, $0x1;
	s10 =	sld [smem:$0x3FBB]  }
0x3d: {  	_ =	shalt  }
0x3e: {  	_ =	shalt  }
0x3f: {  	_ =	shalt  }
0x40: {  	_ =	shalt  }
0x41: {  	_ =	shalt  }
0x42: {  	_ =	shalt  }
0x43: {  	_ =	shalt  }
0x44: {  	_ =	shalt  }
0x45: {  	_ =	shalt  }
0x46: {  	_ =	shalt  }
0x47: {  	_ =	shalt  }
0x48: {  	_ =	shalt  }
0x49: {  	_ =	shalt  }
0x4a: {  	_ =	shalt  }
0x4b: {  	_ =	shalt  }
0x4c: {  	_ =	shalt  }
0x4d: {  	_ =	shalt  }
0x4e: {  	_ =	shalt  }
0x4f: {  	_ =	shalt  }
0x50: {  	_ =	shalt  }
0x51: {  	_ =	shalt  }
0x52: {  	_ =	shalt  }
0x53: {  	_ =	shalt  }
0x54: {  	_ =	shalt  }
0x55: {  	_ =	shalt  }
0x56: {  	_ =	shalt  }
0x57: {  	_ =	shalt  }
0x58: {  	_ =	shalt  }
0x59: {  	_ =	shalt  }
0x5a: {  	_ =	shalt  }
0x5b: {  	_ =	shalt  }
0x5c: {  	_ =	shalt  }
0x5d: {  	_ =	shalt  }
0x5e: {  	_ =	shalt  }
0x5f: {  	_ =	shalt  }
0x60: {  	_ =	shalt  }
0x61: {  	_ =	shalt  }
0x62: {  	_ =	shalt  }
0x63: {  	_ =	shalt  }
0x64: {  	_ =	shalt  }
0x65: {  	_ =	shalt  }
0x66: {  	_ =	shalt  }
0x67: {  	_ =	shalt  }
0x68: {  	_ =	shalt  }
0x69: {  	_ =	shalt  }
0x6a: {  	_ =	shalt  }
0x6b: {  	_ =	shalt  }
0x6c: {  	_ =	shalt  }
0x6d: {  	_ =	shalt  }
0x6e: {  	_ =	shalt  }
0x6f: {  	_ =	shalt  }
0x70: {  	_ =	shalt  }
0x71: {  	_ =	shalt  }
0x72: {  	_ =	shalt  }
0x73: {  	_ =	shalt  }
0x74: {  	_ =	shalt  }
0x75: {  	_ =	shalt  }
0x76: {  	_ =	shalt  }
0x77: {  	_ =	shalt  }
0x78: {  	_ =	shalt  }
0x79: {  	_ =	shalt  }
0x7a: {  	_ =	shalt  }
0x7b: {  	_ =	shalt  }
0x7c: {  	_ =	shalt  }
0x7d: {  	_ =	shalt  }
0x7e: {  	_ =	shalt  }
0x7f: {  	_ =	shalt  }
0x80: {  	_ =	shalt  }
0x81: {  	_ =	shalt  }
0x82: {  	_ =	shalt  }
0x83: {  	_ =	shalt  }
0x84: {  	_ =	shalt  }
0x85: {  	_ =	shalt  }
0x86: {  	_ =	shalt  }
0x87: {  	_ =	shalt  }
.Lfunc_end0:
.L_simem_size_0:
called_computation_lowered:
.L_overlay_start_0:
0x88: {  	s2 =	sld [smem:$0x3FD9]  }
0x89: {  	s3 =	sld [smem:$0x3FFE];
	_ =	sdelay $0x1  }
0x8a: {  	s1 =	srdreg.scid  }
0x8b: {  	s0 =	sand.u32 $0x1, s1  }
0x8c: {  	s18 =	sshll.u32 s0, $0xA;
	s2 =	sadd.s32 s3, s2  }
0x8d: {  	s2 =	sadd.s32 s2, s18  }
0x8e: {  	[smem:$0x3FC7] =	sst s2  }
0x8f: {  	_ = 	snop  }
0x90: {  	s2 =	sld [smem:$0x3FC9]  }
0x91: {  	s19 =	sld [smem:$0x3FD0];
	(tm) =	ssettm $0x1  }
0x92: {  	s4 =	sld [smem:$0x3FFB];
	_ =	sdelay $0x3  }
0x93: {  	_ =	strace s4  }
0x94: {  	s4 =	sld [smem:$0x3FFC];
	_ =	sdelay $0x3  }
0x95: {  	_ =	strace s4  }
0x96: {  	s4 =	sld [smem:$0x3FFD];
	_ =	sdelay $0x3  }
0x97: {  	_ =	strace s4  }
0x98: {  	_ =	strace $0x8FFFFFFF  }
0x99: {  	s20 =	sld [smem:$0x3FDB];
	_ =	sdelay $0x1  }
0x9a: {  	s5 =	simm.s32 $_scs_section_size  }
0x9b: {  	s6 =	simm.s32 $_size__tile_overlayer_lowered;
	s7 =	simm.s32 $_tile_overlayer_lowered  }
0x9c: {  	s23 =	simm.s32 $0x1BFF;
	s22 =	sshll.u32 s7, $0x1;
	s4 =	sadd.s32 s5, s20  }
0x9d: {  	s8 =	simm.s32 $0x0;
	s21 =	sshll.u32 s6, $0x1;
	s6 =	sadd.s32 s22, s4  }
0x9e: {  	[timem:s8], [sflag:s23] =	dma.local [hbm:s6], s21  }
0x9f: {  	_ =	swait.ge [sflag:s23], s21  }
0xa0: {  	s5 =	ssub.s32 $0x0, s21;
	[sflag:s23] =	ssyncset.done $0x0  }
0xa1: {  	[sflag:s23] =	ssyncadd.s32 s5;
	_ =	sdelay $0x1  }
0xa2: {  	s24 =	simm.s32 $0x1B8B  }
0xa3: {  	_ =	swait.ge [sflag:s24], $0x1  }
0xa4: {  	[sflag:s24] =	ssyncset.done $0x0  }
0xa5: {  	s25 =	simm.s32 $0x1B8E;
	[sflag:s24] =	ssyncadd.s32 $0xFFFFFFFF  }
0xa6: {  	s26 =	simm.s32 $execute0_lowered;
	[smem:$0x3FD2] =	sst s25  }
0xa7: {  	s5 =	sshll.u32 s26, $0x1;
	_ =	strace $0x80000046;
	[dreg:$0x1] =	wrdreg $0xFFFFFFFF  }
0xa8: {  	s28 =	simm.s32 $_size_execute0_lowered;
	s4 =	sadd.s32 s4, s5;
	[dreg:$0x0] =	wrdreg $0x0  }
0xa9: {  	s5 =	sshll.u32 s28, $0x1;
	[dreg:$0x2] =	wrdreg s4  }
0xaa: {  	[dreg:$0x3] =	wrdreg s5  }
0xab: {  	[dreg:$0x4] =	wrdreg $0xC0  }
0xac: {  	_ =	task [dreg:s8], $0x5FFFF  }
0xad: {  	[dreg:$0x1] =	wrdreg $0xFFFFFFFF  }
0xae: {  	[dreg:$0x0] =	wrdreg $0x60  }
0xaf: {  	[dreg:$0x2] =	wrdreg s2  }
0xb0: {  	[dreg:$0x3] =	wrdreg s19  }
0xb1: {  	[dreg:$0x4] =	wrdreg $0x9  }
0xb2: {  	_ =	task.clear_ibuf [dreg:s8], $0x5FFFF;
	_ =	strace $0x90000046  }
0xb3: {  	s29 =	simm.s32 $0x9;
	_ =	strace $0x80000048  }
0xb4: {  	_ =	swait.ge [sflag:s29], $0x1  }
0xb5: {  	[sflag:s29] =	ssyncadd.s32 $0xFFFFFFFF  }
0xb6: {  	_ =	strace $0x90000048  }
0xb7: {  	_ =	sfence  }
0xb8: {  	s30 =	sld [smem:$0x0];
	_ =	sdelay $0x2  }
0xb9: {  	s31 =	sshll.u32 s1, $0xD;
	s1 =	sshrl.u32 s1, $0x2  }
0xba: {  	s3 =	sand.u32 $0x4000, s31;
	s1 =	sadd.s32 s1, s30  }
0xbb: {  	s0 =	sor.u32 s3, s0;
	s1 =	sshll.u32 s1, $0x11  }
0xbc: {  	s0 =	sor.u32 s1, s0  }
0xbd: {  	s0 =	sadd.s32 $0x8F2B, s0  }
0xbe: {  	[sflag:s0] =	ssyncadd.remote.s32 $0x1  }
0xbf: {  	_ =	sfence.sel $0xFFFF  }
0xc0: {  	[dreg:$0x0] =	wrdreg $0xFFFFFFFF;
	(pc) =	sbr.abs _section_cstart, $3  }
0xc1: {  	[dreg:$0x1] =	wrdreg $0xFFFFFFFF  }
0xc2: {  	_ =	task.clear_ibuf [dreg:s8], $0x2FFFF;
	_ =	strace $0x9FFFFFFF  }
0xc3: {  	(tm) =	ssettm $0x7FFFFFFF  }
tec
execute0_lowered:
.L_overlay_start_1:
0x0: {  	(tag) =	ssettag $0x1  }
0x1: {  	s1 =	srdreg.scid;
	s7 =	rddreg [dreg:$0x0]  }
0x2: {  	s0 =	stileid.u32;
	s2 =	rddreg [dreg:$0x1];
	s3 =	simm.s32 $0x0  }
0x3: {  	s12 =	simm.s32 $0x2;
	s13 =	simm.s32 $0x2000;
	s14 =	simm.s32 $0x0  }
0x4: {  	s4 =	sand.u32 $0x1, s1;
	s29 =	sshll.u32 s0, $0x1;
	s1 =	rddreg [dreg:$0x2]  }
0x5: {  	[smem:$0x7FF] =	sst s3;
	p0 =	slt.u32 s0, $0x7;
	s8 =	sor.u32 s4, s29  }
0x6: {  	p1 =	sgt.u32 s0, $0x6;
	s6 =	ssub.s32 $0x2, s4;
	s5 =	smul.u32 $0x18, s8  }
0x7: {  	_ =	strace $0x80000047;
	s9 =	smul.u32 $0x19, s8;
	s10 =	sshrl.u32 s6, $0x1  }
0x8: {  	s30 =	smul.u32 $0x190, s8;
	s31 =	sadd.s32 $0xFFFFFFF2, s8;
	s10 =	ssub.s32 s6, s10  }
.Ltmp0:
0x9: {  	s4 =	sadd.s32 $0xE, s5;
	s5 =	simm.s32 $0x19;
	(pc) =	sbr.rel .LBB2_1-.Ltmp0, $4  }
0xa: {  	s6 =	sadd.s32 s7, s30;
	s4 =	smov.u32 @p0 s9;
	s5 =	simm.s32 @!p0 $0x18  }
0xb: {  	p0 =	sgt.u32 s31, $0x10;
	s9 =	simm.s32 $0x1;
	s11 =	sshll.u32 s4, $0x4  }
0xc: {  	v0 =	vimm.f32 $0.0e+00;
	p2 =	sne.s32 @p0 s8, $0x1F;
	s8 =	smax.u32 s10, $0x1;
	s10 =	simm.s32 $0x400  }
0xd: {  	v1 =	vlaneseq.u32;
	vm0 =	vmxor vm0, vm0;
	v2 =	vimm.f32 $1.000000000e+00;
	s7 =	sadd.s32 s7, s11;
	p2 =	por p2, !p0;
	s11 =	simm.s32 $0xC3800  }
.LBB2_21:
0xe: {  	s14 =	sadd.s32 $0x1, s14  }
0xf: {  	_ =	swait.ge [sflag:s9], $0x2000;
	p3 =	sne.s32 s14, s8  }
.Ltmp1:
0x10: {  	[sflag:s9] =	ssyncset.done $0x0;
	(pc) =	sbr.rel @!p3 .LBB2_22-.Ltmp1, $4  }
0x11: {  	[sflag:s9] =	ssyncadd.s32 $0xFFFFE000  }
0x12: {  	_ =	swait.ge [sflag:s12], $0x2000  }
0x13: {  	[sflag:s12] =	ssyncset.done $0x0  }
0x14: {  	[sflag:s12] =	ssyncadd.s32 $0xFFFFE000  }
.LBB2_1:
0x15: {  	s15 =	simm.s32 @!p1 $0x0;
	s16 =	simm.s32 @!p1 $0x4000  }
0x16: {  	[tilespmem:s16], [sflag:$0x3] =	stream.linear.gather @!p1 [hbm4b:s6+s15], $0xC80, $0x38;
	[tilespmem:$0x4C80] =	vst v63  }
0x17: {  	s15 =	simm.s32 @!p1 $0x3  }
0x18: {  	_ =	swait.ge @!p1 [sflag:s15], $0xC80  }
0x19: {  	[sflag:s15] =	ssyncset.done @!p1 $0x0  }
0x1a: {  	s16 =	simm.s32 @!p2 $0x4000;
	[sflag:s15] =	ssyncadd.s32 @!p1 $0xFFFFF380;
	s15 =	simm.s32 @!p2 $0x0  }
0x1b: {  	[tilespmem:s16], [sflag:$0x3] =	stream.linear.gather @!p2 [hbm4b:s7+s15], $0xBA0, $0x38;
	[tilespmem:$0x4C80] =	vst v63  }
0x1c: {  	s15 =	simm.s32 @!p2 $0x3  }
0x1d: {  	_ =	swait.ge @!p2 [sflag:s15], $0xBA0  }
0x1e: {  	[sflag:s15] =	ssyncset.done @!p2 $0x0  }
0x1f: {  	s16 =	simm.s32 @!p0 $0x4000;
	[sflag:s15] =	ssyncadd.s32 @!p2 $0xFFFFF460;
	s15 =	simm.s32 @!p0 $0x0  }
0x20: {  	[tilespmem:s16], [sflag:$0x3] =	stream.linear.gather @!p0 [hbm4b:s7+s15], $0xC00, $0x38;
	[tilespmem:$0x4C80] =	vst v63  }
0x21: {  	s15 =	simm.s32 @!p0 $0x3  }
0x22: {  	_ =	swait.ge @!p0 [sflag:s15], $0xC00  }
0x23: {  	[sflag:s15] =	ssyncset.done @!p0 $0x0  }
0x24: {  	s17 =	simm.s32 $0x0;
	[sflag:s15] =	ssyncadd.s32 @!p0 $0xFFFFF400;
	s15 =	simm.s32 $0x200  }
.LBB2_2:
0x25: {  	p3 =	sne.s32 s15, $0x7E00;
	[tilespmem:s17+$0x2070] =	vst v0  }
0x26: {  	[tilespmem:s17+$0x0] =	vst v0  }
0x27: {  	[tilespmem:s17+$0x2000] =	vst v0  }
0x28: {  	[tilespmem:s17+$0x10] =	vst v0  }
0x29: {  	[tilespmem:s17+$0x2010] =	vst v0  }
0x2a: {  	[tilespmem:s17+$0x20] =	vst v0  }
0x2b: {  	[tilespmem:s17+$0x2020] =	vst v0  }
0x2c: {  	[tilespmem:s17+$0x30] =	vst v0  }
0x2d: {  	[tilespmem:s17+$0x2030] =	vst v0  }
0x2e: {  	[tilespmem:s17+$0x40] =	vst v0  }
0x2f: {  	[tilespmem:s17+$0x2040] =	vst v0  }
.Ltmp2:
0x30: {  	[tilespmem:s17+$0x50] =	vst v0;
	(pc) =	sbr.rel @p3 .LBB2_2-.Ltmp2, $4  }
0x31: {  	[tilespmem:s17+$0x2050] =	vst v0  }
0x32: {  	[tilespmem:s17+$0x60] =	vst v0  }
0x33: {  	[tilespmem:s17+$0x2060] =	vst v0  }
0x34: {  	[tilespmem:s17+$0x70] =	vst v0;
	s17 =	sshra.s32 s15, $0x2;
	s15 =	sadd.s32 $0x200, s15  }
0x35: {  	[tilespmem:s17+$0x2070] =	vst v0  }
0x36: {  	[tilespmem:s17+$0x0] =	vst v0  }
0x37: {  	[tilespmem:s17+$0x2000] =	vst v0  }
0x38: {  	[tilespmem:s17+$0x10] =	vst v0  }
0x39: {  	[tilespmem:s17+$0x2010] =	vst v0  }
0x3a: {  	[tilespmem:s17+$0x20] =	vst v0  }
0x3b: {  	[tilespmem:s17+$0x2020] =	vst v0  }
0x3c: {  	[tilespmem:s17+$0x30] =	vst v0  }
0x3d: {  	[tilespmem:s17+$0x2030] =	vst v0  }
0x3e: {  	[tilespmem:s17+$0x40] =	vst v0  }
0x3f: {  	[tilespmem:s17+$0x2040] =	vst v0  }
.Ltmp3:
0x40: {  	[tilespmem:s17+$0x50] =	vst v0;
	(pc) =	sbr.rel .LBB2_4-.Ltmp3, $4  }
0x41: {  	[tilespmem:s17+$0x2050] =	vst v0  }
0x42: {  	[tilespmem:s17+$0x60] =	vst v0  }
0x43: {  	[tilespmem:s17+$0x2060] =	vst v0;
	s15 =	simm.s32 $0x0;
	s16 =	simm.s32 $0x3F00  }
0x44: {  	[tilespmem:s17+$0x70] =	vst v0;
	s17 =	simm.s32 $0x4000;
	s18 =	simm.s32 $0x3F80;
	s19 =	simm.s32 $0x4080  }
.LBB2_20:
0x45: {  	s15 =	sadd.s32 $0x1, s15  }
0x46: {  	p3 =	sne.s32 s15, $0xD  }
.Ltmp4:
0x47: {  	_ = 	snop;
	(pc) =	sbr.rel @!p3 .LBB2_21-.Ltmp4, $3  }
0x48: {  	_ =	sdelay $0x1  }
0x49: {  	s16 =	sadd.s32 $0x100, s16  }
0x4a: {  	s17 =	sadd.s32 $0x100, s17;
	s18 =	sadd.s32 $0x100, s18;
	s19 =	sadd.s32 $0x100, s19  }
.LBB2_4:
0x4b: {  	s21 =	sshll.u32 s15, $0x1;
	p3 =	seq.s32 s15, $0x0  }
0x4c: {  	p4 =	sge.u32 @!p3 s21, s5  }
0x4d: {  	p4 =	por p3, p4  }
.Ltmp5:
0x4e: {  	_ = 	snop;
	(pc) =	sbr.rel @p4 .LBB2_8-.Ltmp5, $3  }
0x4f: {  	_ =	sdelay $0x1  }
0x50: {  	s20 =	sadd.s32 s4, s21  }
0x51: {  	s20 =	sshll.u32 s20, $0x7  }
0x52: {  	_ =	swait.ge [sflag:s9], $0x2000  }
0x53: {  	[sflag:s9] =	ssyncset.done $0x0  }
0x54: {  	s22 =	sadd.s32 $0xFFFFFF00, s20;
	[sflag:s9] =	ssyncadd.s32 $0xFFFFE000  }
0x55: {  	s23 =	simm.s32 $0x10;
	s24 =	smov.u32 s16;
	v3 =	vor.u32 s22, v1;
	s22 =	simm.s32 $0x0;
	v4 =	vld [tilespmem:s16+$0x0]  }
.LBB2_6:
0x56: {  	p4 =	sne.s32 s23, $0x70;
	_ =	sdelay $0x3  }
0x57: {  	v5 =	vor.u32 s22, v3;
	v4 =	vshll.u32 v4, $0x7  }
0x58: {  	vm1 =	vlt.s32 v5, $0x186A0;
	v4 =	vadd.s32 s22, v4;
	s22 =	smov.u32 s23  }
0x59: {  	v4 =	vadd.s32 v1, v4;
	_ =	sdelay $0x1  }
.Ltmp6:
0x5a: {  	(pc) =	sbr.rel @p4 .LBB2_6-.Ltmp6, $3  }
0x5b: {  	_ =	sdelay $0x1  }
0x5c: {  	s24 =	sadd.s32 $0x10, s24;
	[tilespmem:v4+s3+$0x0] =	vst.idx.msk vm1, v0  }
0x5d: {  	s23 =	sadd.s32 $0x10, s23;
	v4 =	vld [tilespmem:s24+$0x0]  }
0x5e: {  	_ =	sdelay $0x3  }
0x5f: {  	v3 =	vor.u32 s22, v3;
	v4 =	vshll.u32 v4, $0x7  }
0x60: {  	vm1 =	vlt.s32 v3, $0x186A0;
	v3 =	vadd.s32 s22, v4  }
0x61: {  	v3 =	vadd.s32 v1, v3;
	_ =	sdelay $0x4  }
0x62: {  	[tilespmem:v3+s3+$0x0] =	vst.idx.msk vm1, v0  }
.LBB2_8:
0x63: {  	p4 =	sge.u32 s21, s5  }
.Ltmp7:
0x64: {  	_ = 	snop;
	(pc) =	sbr.rel @p4 .LBB2_12-.Ltmp7, $1  }
0x65: {  	_ =	sdelay $0x3  }
0x66: {  	s22 =	simm.s32 $0x0;
	v3 =	vld [tilespmem:s17+$0x0];
	s23 =	simm.s32 $0x10;
	s24 =	smov.u32 s17  }
.LBB2_10:
0x67: {  	p4 =	sne.s32 s23, $0x70;
	_ =	sdelay $0x2  }
0x68: {  	s25 =	sor.u32 s20, s22  }
0x69: {  	vm1 =	vmmov vm0;
	p5 =	slt.u32 s25, $0x186A0;
	v3 =	vshll.u32 v3, $0x7  }
0x6a: {  	vm1 =	vmneg @p5 vm1;
	v3 =	vadd.s32 s22, v3;
	s22 =	smov.u32 s23  }
0x6b: {  	v3 =	vadd.s32 v1, v3;
	_ =	sdelay $0x1  }
.Ltmp8:
0x6c: {  	(pc) =	sbr.rel @p4 .LBB2_10-.Ltmp8, $3  }
0x6d: {  	_ =	sdelay $0x1  }
0x6e: {  	s24 =	sadd.s32 $0x10, s24;
	[tilespmem:v3+s3+$0x0] =	vst.idx.msk vm1, v2  }
0x6f: {  	s23 =	sadd.s32 $0x10, s23;
	v3 =	vld [tilespmem:s24+$0x0]  }
0x70: {  	_ =	sdelay $0x2  }
0x71: {  	s23 =	sor.u32 s20, s22  }
0x72: {  	vm1 =	vmmov vm0;
	p4 =	slt.u32 s23, $0x186A0;
	v3 =	vshll.u32 v3, $0x7  }
0x73: {  	vm1 =	vmneg @p4 vm1;
	v3 =	vadd.s32 s22, v3  }
0x74: {  	v3 =	vadd.s32 v1, v3;
	_ =	sdelay $0x4  }
0x75: {  	s31 =	sadd.s32 s2, s20;
	[tilespmem:v3+s3+$0x0] =	vst.idx.msk vm1, v2  }
0x76: {  	[hbm4b:s31+s10] =	stream.strided.scatter [tilespmem:s3], [sflag:$0x1], $0x2000, s11, s10, $0x38;
	[tilespmem:$0x4C80] =	vst v63  }
.LBB2_12:
0x77: {  	s21 =	sor.u32 $0x1, s21  }
0x78: {  	p4 =	sge.u32 @!p3 s21, s5  }
0x79: {  	p3 =	por p3, p4  }
.Ltmp9:
0x7a: {  	_ = 	snop;
	(pc) =	sbr.rel @p3 .LBB2_16-.Ltmp9, $1  }
0x7b: {  	_ =	sdelay $0x3  }
0x7c: {  	_ =	swait.ge [sflag:s12], $0x2000  }
0x7d: {  	[sflag:s12] =	ssyncset.done $0x0  }
0x7e: {  	s20 =	sadd.s32 $0xFFFFFF80, s20;
	[sflag:s12] =	ssyncadd.s32 $0xFFFFE000  }
0x7f: {  	s22 =	simm.s32 $0x10;
	s23 =	smov.u32 s18;
	v3 =	vor.u32 s20, v1;
	s20 =	simm.s32 $0x0;
	v4 =	vld [tilespmem:s18+$0x0]  }
.LBB2_14:
0x80: {  	p3 =	sne.s32 s22, $0x70;
	_ =	sdelay $0x3  }
0x81: {  	v5 =	vor.u32 s20, v3;
	v4 =	vshll.u32 v4, $0x7  }
0x82: {  	vm1 =	vlt.s32 v5, $0x186A0;
	v4 =	vadd.s32 s20, v4;
	s20 =	smov.u32 s22  }
0x83: {  	v4 =	vadd.s32 v1, v4;
	_ =	sdelay $0x1  }
.Ltmp10:
0x84: {  	(pc) =	sbr.rel @p3 .LBB2_14-.Ltmp10, $3  }
0x85: {  	_ =	sdelay $0x1  }
0x86: {  	s23 =	sadd.s32 $0x10, s23;
	[tilespmem:v4+s13+$0x0] =	vst.idx.msk vm1, v0  }
0x87: {  	s22 =	sadd.s32 $0x10, s22;
	v4 =	vld [tilespmem:s23+$0x0]  }
0x88: {  	_ =	sdelay $0x3  }
0x89: {  	v3 =	vor.u32 s20, v3;
	v4 =	vshll.u32 v4, $0x7  }
0x8a: {  	vm1 =	vlt.s32 v3, $0x186A0;
	v3 =	vadd.s32 s20, v4  }
0x8b: {  	v3 =	vadd.s32 v1, v3;
	_ =	sdelay $0x4  }
0x8c: {  	[tilespmem:v3+s13+$0x0] =	vst.idx.msk vm1, v0  }
.LBB2_16:
0x8d: {  	p3 =	sge.u32 s21, s5  }
.Ltmp11:
0x8e: {  	_ = 	snop;
	(pc) =	sbr.rel @p3 .LBB2_20-.Ltmp11, $1  }
0x8f: {  	_ =	sdelay $0x3  }
0x90: {  	s20 =	sadd.s32 s4, s21;
	s21 =	simm.s32 $0x0  }
0x91: {  	v3 =	vld [tilespmem:s19+$0x0];
	s22 =	simm.s32 $0x10;
	s23 =	smov.u32 s19;
	s20 =	sshll.u32 s20, $0x7  }
.LBB2_18:
0x92: {  	p3 =	sne.s32 s22, $0x70;
	_ =	sdelay $0x2  }
0x93: {  	s24 =	sor.u32 s20, s21  }
0x94: {  	vm1 =	vmmov vm0;
	p4 =	slt.u32 s24, $0x186A0;
	v3 =	vshll.u32 v3, $0x7  }
0x95: {  	vm1 =	vmneg @p4 vm1;
	v3 =	vadd.s32 s21, v3;
	s21 =	smov.u32 s22  }
0x96: {  	v3 =	vadd.s32 v1, v3;
	_ =	sdelay $0x1  }
.Ltmp12:
0x97: {  	(pc) =	sbr.rel @p3 .LBB2_18-.Ltmp12, $3  }
0x98: {  	_ =	sdelay $0x1  }
0x99: {  	s23 =	sadd.s32 $0x10, s23;
	[tilespmem:v3+s13+$0x0] =	vst.idx.msk vm1, v2  }
0x9a: {  	s22 =	sadd.s32 $0x10, s22;
	v3 =	vld [tilespmem:s23+$0x0]  }
0x9b: {  	_ =	sdelay $0x2  }
0x9c: {  	s22 =	sor.u32 s20, s21  }
0x9d: {  	vm1 =	vmmov vm0;
	p3 =	slt.u32 s22, $0x186A0;
	v3 =	vshll.u32 v3, $0x7  }
0x9e: {  	vm1 =	vmneg @p3 vm1;
	v3 =	vadd.s32 s21, v3  }
0x9f: {  	v3 =	vadd.s32 v1, v3;
	_ =	sdelay $0x1  }
.Ltmp13:
0xa0: {  	_ = 	snop;
	(pc) =	sbr.rel .LBB2_20-.Ltmp13, $3  }
0xa1: {  	_ =	sdelay $0x1  }
0xa2: {  	s31 =	sadd.s32 s2, s20;
	[tilespmem:v3+s13+$0x0] =	vst.idx.msk vm1, v2  }
0xa3: {  	[hbm4b:s31+s10] =	stream.strided.scatter [tilespmem:s13], [sflag:$0x2], $0x2000, s11, s10, $0x38;
	[tilespmem:$0x4C80] =	vst v63  }
.LBB2_22:
0xa4: {  	_ =	sfence.sel $0x180000  }
0xa5: {  	[bflag:$0x0] =	sbarrier.arrive $0xFFFF  }
0xa6: {  	p0 =	sne.s32 s0, $0x0;
	_ =	strace $0x90000047  }
0xa7: {  	s0 =	sadd.s32 @!p0 $0x100000, s1;
	[bflag:$0x2] =	sbarrier.arrive $0xFFFF  }
0xa8: {  	[sflag:s0] =	ssyncadd.tile.s32 @!p0 $0x1;
	_ =	shalt  }
.Lfunc_end2:
_tile_overlayer_lowered:
.L_overlay_start_2:
0xa9: {  	(tag) =	ssettag $0x2  }
0xaa: {  	s0 =	rddreg [dreg:$0x0];
	s2 =	stileid.u32  }
0xab: {  	s1 =	rddreg [dreg:$0x1];
	p0 =	sne.s32 s2, $0x0  }
0xac: {  	s3 =	rddreg [dreg:$0x2];
	[bflag:$0x3] =	sbarrier.arrive $0xFFFF;
	s2 =	simm.s32 @!p0 $0x1C04  }
0xad: {  	[timem:s3], [sflag:s2] =	dma.local @!p0 [hbm:s0], s1  }
0xae: {  	s0 =	simm.s32 @!p0 $0x4  }
0xaf: {  	_ =	swait.ge @!p0 [sflag:s0], s1  }
0xb0: {  	s1 =	ssub.s32 @!p0 $0x0, s1;
	[sflag:s0] =	ssyncset.done @!p0 $0x0  }
0xb1: {  	[sflag:s0] =	ssyncadd.s32 @!p0 s1  }
0xb2: {  	[bflag:$0x3] =	sbarrier.arrive $0xFFFF  }
0xb3: {  	_ =	shalt  }

</sc_bundles>
